<compile_context>
chip_gen: v7x
topology: tpu7x:2x2x1
jax: 0.10.2.dev20260603
libtpu: 0.0.44.dev20260713+nightly
codegen_flags: <defaults>
</compile_context>

<pallas_src>
import jax
import jax.numpy as jnp
from jax import lax
from jax.experimental import pallas as pl
from jax.experimental.pallas import tpu as pltpu
from jax.experimental.pallas import tpu_sc as plsc

B = 16384
L = 48
D = 128
V = 40
CW = 128
NW = 32
ROWS = B // NW

GI = 4
SLAB_GROUPS = 4
NSLAB = (ROWS // 16) // SLAB_GROUPS


def _sc_hist_body(ids_hbm, counts_hbm, ids_v, counts_v, in_sem, out_sem):
    wid = lax.axis_index("s") * 2 + lax.axis_index("c")
    row0 = wid * ROWS

    srows = SLAB_GROUPS * 16
    in_cps = [
        pltpu.make_async_copy(
            ids_hbm.at[pl.ds(row0 + s * srows, srows), :],
            ids_v.at[pl.ds(s * srows, srows), :],
            in_sem,
        )
        for s in range(NSLAB)
    ]
    for cp in in_cps:
        cp.start()

    zero = jnp.zeros((16,), jnp.float32)

    def zbody(i, c):
        for j in range(8):
            for k in range(3):
                counts_v[i * 8 + j, pl.ds(k * 16, 16)] = zero
        return c

    lax.fori_loop(0, ROWS // 8, zbody, 0)

    lane = lax.iota(jnp.int32, 16)
    ones = jnp.ones((16,), jnp.float32)

    def sbody(slab, c):
        slr = slab * srows
        pltpu.make_async_copy(
            ids_hbm.at[pl.ds(row0 + slr, srows), :],
            ids_v.at[pl.ds(slr, srows), :],
            in_sem,
        ).wait()

        def gbody(gi, c2):
            g0 = slab * SLAB_GROUPS + gi * GI
            rows = [lane + (g0 + k) * 16 for k in range(GI)]

            def lbody(l, col):
                toks = [plsc.load_gather(ids_v, [rows[k], col]) for k in range(GI)]
                for k in range(GI):
                    plsc.addupdate_scatter(counts_v, [rows[k], toks[k]], ones)
                col2 = col + 1
                return jnp.where(col2 >= L, col2 - L, col2)

            lax.fori_loop(0, L, lbody, lane)
            return c2

        lax.fori_loop(0, SLAB_GROUPS // GI, gbody, 0)
        pltpu.make_async_copy(
            counts_v.at[pl.ds(slr, srows), :],
            counts_hbm.at[pl.ds(row0 + slr, srows), :],
            out_sem,
        ).start()
        return c

    lax.fori_loop(0, NSLAB, sbody, 0)

    def dbody(slab, c):
        slr = slab * (SLAB_GROUPS * 16)
        pltpu.make_async_copy(
            counts_v.at[pl.ds(slr, SLAB_GROUPS * 16), :],
            counts_hbm.at[pl.ds(row0 + slr, SLAB_GROUPS * 16), :],
            out_sem,
        ).wait()
        return c

    lax.fori_loop(0, NSLAB, dbody, 0)


_hist = pl.kernel(
    _sc_hist_body,
    out_type=jax.ShapeDtypeStruct((B, CW), jnp.float32),
    mesh=plsc.VectorSubcoreMesh(
        core_axis_name="c", subcore_axis_name="s", num_cores=2, num_subcores=16
    ),
    scratch_types=[
        pltpu.VMEM((ROWS, L), jnp.int32),
        pltpu.VMEM((ROWS, CW), jnp.float32),
        pltpu.SemaphoreType.DMA,
        pltpu.SemaphoreType.DMA,
    ],
    compiler_params=pltpu.CompilerParams(needs_layout_passes=False),
)


def _tc_finish_body(counts_ref, emb_ref, w_ref, b_ref, out_ref):
    c = counts_ref[...]
    m = lax.dot_general(
        emb_ref[...], w_ref[...], (((1,), (1,)), ((), ())),
        preferred_element_type=jnp.float32,
    )
    y = lax.dot_general(
        c[:, :V], m, (((1,), (0,)), ((), ())),
        preferred_element_type=jnp.float32,
    )
    denom = jnp.maximum(jnp.float32(L) - c[:, 0:1], 1.0)
    out_ref[...] = y / denom + b_ref[...]


def kernel(token_ids, emb_table, W, b):
    counts = _hist(token_ids)
    out = pl.pallas_call(
        _tc_finish_body,
        out_shape=jax.ShapeDtypeStruct((B, D), jnp.float32),
    )(counts, emb_table, W, b.reshape(1, D))
    return out

# --- scband reference (transcript-rebuilt; emitter-appended) ---
"""Pipeline reference for scband-char-prompt-encoder-34892314313411 (READ-ONLY COPY).

The authoritative reference and input builder live on the scoring server;
editing this copy changes nothing except your own understanding.
"""

import jax, jax.numpy as jnp
import numpy as np

B = 16384
L = 48
EMBED_DIM = 128
VOCAB = 40  # len(_PROMPT_STOI) + 1
PAD = 0


def setup_inputs(seed: int = 0) -> dict:
    key = jax.random.key(seed)
    k1, k2, k3 = jax.random.split(key, 3)
    token_ids = jax.random.randint(k1, (B, L), 0, VOCAB, dtype=jnp.int32)
    emb_table = jax.random.normal(k2, (VOCAB, EMBED_DIM), dtype=jnp.float32)
    # padding_idx=0 row is initialized to zeros in nn.Embedding
    emb_table = emb_table.at[PAD].set(0.0)
    W = jax.random.normal(k3, (EMBED_DIM, EMBED_DIM), dtype=jnp.float32) * 0.05
    b = jnp.zeros((EMBED_DIM,), dtype=jnp.float32)
    return {"token_ids": token_ids, "emb_table": emb_table, "W": W, "b": b}


def reference(token_ids, emb_table, W, b):
    # embedding lookup (gather)
    embedded = jnp.take(emb_table, token_ids, axis=0)          # [B, L, D]
    mask = (token_ids != PAD)[..., None].astype(jnp.float32)    # [B, L, 1]
    denom = jnp.clip(jnp.sum(mask, axis=1), 1.0, None)          # [B, 1]
    pooled = jnp.sum(embedded * mask, axis=1) / denom           # [B, D]
    return pooled @ W.T + b                                     # [B, D]

if __name__ == "__main__":
    import jax
    _d = setup_inputs()
    print(jax.jit(kernel)(*tuple(_d.values())))

</pallas_src>

<mosaic_0001>
#map = affine_map<(d0, d1) -> (0, 0)>
module attributes {stable_mosaic.version = 14 : i64} {
  func.func @_sc_hist_body(%arg0: i32, %arg1: i32, %arg2: memref<16384x48xi32, #tpu.memory_space<hbm>>, %arg3: memref<16384x128xf32, #tpu.memory_space<hbm>>, %arg4: memref<512x48xi32, #tpu.memory_space<vmem>>, %arg5: memref<512x128xf32, #tpu.memory_space<vmem>>, %arg6: memref<!tpu.dma_semaphore, #tpu.memory_space<semaphore_mem>>, %arg7: memref<!tpu.dma_semaphore, #tpu.memory_space<semaphore_mem>>) attributes {dimension_semantics = [#tpu.dimension_semantics<core_parallel>, #tpu.dimension_semantics<subcore_parallel>], iteration_bounds = array<i64: 2, 16>, scalar_prefetch = 0 : i64, scratch_operands = 4 : i64, tpu.core_type = #tpu.core_type<sc_vector_subcore>, window_params = [{transform_indices = #map}, {transform_indices = #map}]} {
    %mul3A = arith.constant 2 : i32
    %mul3A_0 = arith.muli %arg1, %mul3A : i32
    %add3A = arith.addi %mul3A_0, %arg0 : i32
    %mul3A_1 = arith.constant 512 : i32
    %mul3A_2 = arith.muli %add3A, %mul3A_1 : i32
    %add3A_3 = arith.constant 0 : i32
    %add3A_4 = arith.addi %mul3A_2, %add3A_3 : i32
    %add3A_5 = arith.constant 64 : i32
    %add3A_6 = arith.addi %mul3A_2, %add3A_5 : i32
    %add3A_7 = arith.constant 128 : i32
    %add3A_8 = arith.addi %mul3A_2, %add3A_7 : i32
    %add3A_9 = arith.constant 192 : i32
    %add3A_10 = arith.addi %mul3A_2, %add3A_9 : i32
    %add3A_11 = arith.constant 256 : i32
    %add3A_12 = arith.addi %mul3A_2, %add3A_11 : i32
    %add3A_13 = arith.constant 320 : i32
    %add3A_14 = arith.addi %mul3A_2, %add3A_13 : i32
    %add3A_15 = arith.constant 384 : i32
    %add3A_16 = arith.addi %mul3A_2, %add3A_15 : i32
    %add3A_17 = arith.constant 448 : i32
    %add3A_18 = arith.addi %mul3A_2, %add3A_17 : i32
    %dma_start3A = arith.constant 0 : i32
    %dma_start3A_19 = arith.constant 0 : i32
    %dma_start3A_20 = tpu.memref_slice %arg4[%dma_start3A, %dma_start3A_19] : memref<512x48xi32, #tpu.memory_space<vmem>> -> memref<64x48xi32, #tpu.memory_space<vmem>>
    %dma_start3A_21 = arith.constant 0 : i32
    %dma_start3A_22 = tpu.memref_slice %arg2[%add3A_4, %dma_start3A_21] : memref<16384x48xi32, #tpu.memory_space<hbm>> -> memref<64x48xi32, #tpu.memory_space<hbm>>
    %dma_start3A_23 = arith.constant 0 : i32
    %dma_start3A_24 = arith.constant 0 : i32
    %dma_start3A_25 = tpu.memref_slice %arg4[%dma_start3A_23, %dma_start3A_24] : memref<512x48xi32, #tpu.memory_space<vmem>> -> memref<64x48xi32, #tpu.memory_space<vmem>>
    %dma_start3A_26 = arith.constant 0 : i32
    %dma_start3A_27 = tpu.memref_slice %arg2[%add3A_4, %dma_start3A_26] : memref<16384x48xi32, #tpu.memory_space<hbm>> -> memref<64x48xi32, #tpu.memory_space<hbm>>
    tpu.enqueue_dma source(%dma_start3A_27 : memref<64x48xi32, #tpu.memory_space<hbm>>) target(%dma_start3A_25 : memref<64x48xi32, #tpu.memory_space<vmem>>) target_semaphore(%arg6 : memref<!tpu.dma_semaphore, #tpu.memory_space<semaphore_mem>>)
    %dma_start3A_28 = arith.constant 64 : i32
    %dma_start3A_29 = arith.constant 0 : i32
    %dma_start3A_30 = tpu.memref_slice %arg4[%dma_start3A_28, %dma_start3A_29] : memref<512x48xi32, #tpu.memory_space<vmem>> -> memref<64x48xi32, #tpu.memory_space<vmem>>
    %dma_start3A_31 = arith.constant 0 : i32
    %dma_start3A_32 = tpu.memref_slice %arg2[%add3A_6, %dma_start3A_31] : memref<16384x48xi32, #tpu.memory_space<hbm>> -> memref<64x48xi32, #tpu.memory_space<hbm>>
    %dma_start3A_33 = arith.constant 64 : i32
    %dma_start3A_34 = arith.constant 0 : i32
    %dma_start3A_35 = tpu.memref_slice %arg4[%dma_start3A_33, %dma_start3A_34] : memref<512x48xi32, #tpu.memory_space<vmem>> -> memref<64x48xi32, #tpu.memory_space<vmem>>
    %dma_start3A_36 = arith.constant 0 : i32
    %dma_start3A_37 = tpu.memref_slice %arg2[%add3A_6, %dma_start3A_36] : memref<16384x48xi32, #tpu.memory_space<hbm>> -> memref<64x48xi32, #tpu.memory_space<hbm>>
    tpu.enqueue_dma source(%dma_start3A_37 : memref<64x48xi32, #tpu.memory_space<hbm>>) target(%dma_start3A_35 : memref<64x48xi32, #tpu.memory_space<vmem>>) target_semaphore(%arg6 : memref<!tpu.dma_semaphore, #tpu.memory_space<semaphore_mem>>)
    %dma_start3A_38 = arith.constant 128 : i32
    %dma_start3A_39 = arith.constant 0 : i32
    %dma_start3A_40 = tpu.memref_slice %arg4[%dma_start3A_38, %dma_start3A_39] : memref<512x48xi32, #tpu.memory_space<vmem>> -> memref<64x48xi32, #tpu.memory_space<vmem>>
    %dma_start3A_41 = arith.constant 0 : i32
    %dma_start3A_42 = tpu.memref_slice %arg2[%add3A_8, %dma_start3A_41] : memref<16384x48xi32, #tpu.memory_space<hbm>> -> memref<64x48xi32, #tpu.memory_space<hbm>>
    %dma_start3A_43 = arith.constant 128 : i32
    %dma_start3A_44 = arith.constant 0 : i32
    %dma_start3A_45 = tpu.memref_slice %arg4[%dma_start3A_43, %dma_start3A_44] : memref<512x48xi32, #tpu.memory_space<vmem>> -> memref<64x48xi32, #tpu.memory_space<vmem>>
    %dma_start3A_46 = arith.constant 0 : i32
    %dma_start3A_47 = tpu.memref_slice %arg2[%add3A_8, %dma_start3A_46] : memref<16384x48xi32, #tpu.memory_space<hbm>> -> memref<64x48xi32, #tpu.memory_space<hbm>>
    tpu.enqueue_dma source(%dma_start3A_47 : memref<64x48xi32, #tpu.memory_space<hbm>>) target(%dma_start3A_45 : memref<64x48xi32, #tpu.memory_space<vmem>>) target_semaphore(%arg6 : memref<!tpu.dma_semaphore, #tpu.memory_space<semaphore_mem>>)
    %dma_start3A_48 = arith.constant 192 : i32
    %dma_start3A_49 = arith.constant 0 : i32
    %dma_start3A_50 = tpu.memref_slice %arg4[%dma_start3A_48, %dma_start3A_49] : memref<512x48xi32, #tpu.memory_space<vmem>> -> memref<64x48xi32, #tpu.memory_space<vmem>>
    %dma_start3A_51 = arith.constant 0 : i32
    %dma_start3A_52 = tpu.memref_slice %arg2[%add3A_10, %dma_start3A_51] : memref<16384x48xi32, #tpu.memory_space<hbm>> -> memref<64x48xi32, #tpu.memory_space<hbm>>
    %dma_start3A_53 = arith.constant 192 : i32
    %dma_start3A_54 = arith.constant 0 : i32
    %dma_start3A_55 = tpu.memref_slice %arg4[%dma_start3A_53, %dma_start3A_54] : memref<512x48xi32, #tpu.memory_space<vmem>> -> memref<64x48xi32, #tpu.memory_space<vmem>>
    %dma_start3A_56 = arith.constant 0 : i32
    %dma_start3A_57 = tpu.memref_slice %arg2[%add3A_10, %dma_start3A_56] : memref<16384x48xi32, #tpu.memory_space<hbm>> -> memref<64x48xi32, #tpu.memory_space<hbm>>
    tpu.enqueue_dma source(%dma_start3A_57 : memref<64x48xi32, #tpu.memory_space<hbm>>) target(%dma_start3A_55 : memref<64x48xi32, #tpu.memory_space<vmem>>) target_semaphore(%arg6 : memref<!tpu.dma_semaphore, #tpu.memory_space<semaphore_mem>>)
    %dma_start3A_58 = arith.constant 256 : i32
    %dma_start3A_59 = arith.constant 0 : i32
    %dma_start3A_60 = tpu.memref_slice %arg4[%dma_start3A_58, %dma_start3A_59] : memref<512x48xi32, #tpu.memory_space<vmem>> -> memref<64x48xi32, #tpu.memory_space<vmem>>
    %dma_start3A_61 = arith.constant 0 : i32
    %dma_start3A_62 = tpu.memref_slice %arg2[%add3A_12, %dma_start3A_61] : memref<16384x48xi32, #tpu.memory_space<hbm>> -> memref<64x48xi32, #tpu.memory_space<hbm>>
    %dma_start3A_63 = arith.constant 256 : i32
    %dma_start3A_64 = arith.constant 0 : i32
    %dma_start3A_65 = tpu.memref_slice %arg4[%dma_start3A_63, %dma_start3A_64] : memref<512x48xi32, #tpu.memory_space<vmem>> -> memref<64x48xi32, #tpu.memory_space<vmem>>
    %dma_start3A_66 = arith.constant 0 : i32
    %dma_start3A_67 = tpu.memref_slice %arg2[%add3A_12, %dma_start3A_66] : memref<16384x48xi32, #tpu.memory_space<hbm>> -> memref<64x48xi32, #tpu.memory_space<hbm>>
    tpu.enqueue_dma source(%dma_start3A_67 : memref<64x48xi32, #tpu.memory_space<hbm>>) target(%dma_start3A_65 : memref<64x48xi32, #tpu.memory_space<vmem>>) target_semaphore(%arg6 : memref<!tpu.dma_semaphore, #tpu.memory_space<semaphore_mem>>)
    %dma_start3A_68 = arith.constant 320 : i32
    %dma_start3A_69 = arith.constant 0 : i32
    %dma_start3A_70 = tpu.memref_slice %arg4[%dma_start3A_68, %dma_start3A_69] : memref<512x48xi32, #tpu.memory_space<vmem>> -> memref<64x48xi32, #tpu.memory_space<vmem>>
    %dma_start3A_71 = arith.constant 0 : i32
    %dma_start3A_72 = tpu.memref_slice %arg2[%add3A_14, %dma_start3A_71] : memref<16384x48xi32, #tpu.memory_space<hbm>> -> memref<64x48xi32, #tpu.memory_space<hbm>>
    %dma_start3A_73 = arith.constant 320 : i32
    %dma_start3A_74 = arith.constant 0 : i32
    %dma_start3A_75 = tpu.memref_slice %arg4[%dma_start3A_73, %dma_start3A_74] : memref<512x48xi32, #tpu.memory_space<vmem>> -> memref<64x48xi32, #tpu.memory_space<vmem>>
    %dma_start3A_76 = arith.constant 0 : i32
    %dma_start3A_77 = tpu.memref_slice %arg2[%add3A_14, %dma_start3A_76] : memref<16384x48xi32, #tpu.memory_space<hbm>> -> memref<64x48xi32, #tpu.memory_space<hbm>>
    tpu.enqueue_dma source(%dma_start3A_77 : memref<64x48xi32, #tpu.memory_space<hbm>>) target(%dma_start3A_75 : memref<64x48xi32, #tpu.memory_space<vmem>>) target_semaphore(%arg6 : memref<!tpu.dma_semaphore, #tpu.memory_space<semaphore_mem>>)
    %dma_start3A_78 = arith.constant 384 : i32
    %dma_start3A_79 = arith.constant 0 : i32
    %dma_start3A_80 = tpu.memref_slice %arg4[%dma_start3A_78, %dma_start3A_79] : memref<512x48xi32, #tpu.memory_space<vmem>> -> memref<64x48xi32, #tpu.memory_space<vmem>>
    %dma_start3A_81 = arith.constant 0 : i32
    %dma_start3A_82 = tpu.memref_slice %arg2[%add3A_16, %dma_start3A_81] : memref<16384x48xi32, #tpu.memory_space<hbm>> -> memref<64x48xi32, #tpu.memory_space<hbm>>
    %dma_start3A_83 = arith.constant 384 : i32
    %dma_start3A_84 = arith.constant 0 : i32
    %dma_start3A_85 = tpu.memref_slice %arg4[%dma_start3A_83, %dma_start3A_84] : memref<512x48xi32, #tpu.memory_space<vmem>> -> memref<64x48xi32, #tpu.memory_space<vmem>>
    %dma_start3A_86 = arith.constant 0 : i32
    %dma_start3A_87 = tpu.memref_slice %arg2[%add3A_16, %dma_start3A_86] : memref<16384x48xi32, #tpu.memory_space<hbm>> -> memref<64x48xi32, #tpu.memory_space<hbm>>
    tpu.enqueue_dma source(%dma_start3A_87 : memref<64x48xi32, #tpu.memory_space<hbm>>) target(%dma_start3A_85 : memref<64x48xi32, #tpu.memory_space<vmem>>) target_semaphore(%arg6 : memref<!tpu.dma_semaphore, #tpu.memory_space<semaphore_mem>>)
    %dma_start3A_88 = arith.constant 448 : i32
    %dma_start3A_89 = arith.constant 0 : i32
    %dma_start3A_90 = tpu.memref_slice %arg4[%dma_start3A_88, %dma_start3A_89] : memref<512x48xi32, #tpu.memory_space<vmem>> -> memref<64x48xi32, #tpu.memory_space<vmem>>
    %dma_start3A_91 = arith.constant 0 : i32
    %dma_start3A_92 = tpu.memref_slice %arg2[%add3A_18, %dma_start3A_91] : memref<16384x48xi32, #tpu.memory_space<hbm>> -> memref<64x48xi32, #tpu.memory_space<hbm>>
    %dma_start3A_93 = arith.constant 448 : i32
    %dma_start3A_94 = arith.constant 0 : i32
    %dma_start3A_95 = tpu.memref_slice %arg4[%dma_start3A_93, %dma_start3A_94] : memref<512x48xi32, #tpu.memory_space<vmem>> -> memref<64x48xi32, #tpu.memory_space<vmem>>
    %dma_start3A_96 = arith.constant 0 : i32
    %dma_start3A_97 = tpu.memref_slice %arg2[%add3A_18, %dma_start3A_96] : memref<16384x48xi32, #tpu.memory_space<hbm>> -> memref<64x48xi32, #tpu.memory_space<hbm>>
    tpu.enqueue_dma source(%dma_start3A_97 : memref<64x48xi32, #tpu.memory_space<hbm>>) target(%dma_start3A_95 : memref<64x48xi32, #tpu.memory_space<vmem>>) target_semaphore(%arg6 : memref<!tpu.dma_semaphore, #tpu.memory_space<semaphore_mem>>)
    %broadcast_in_dim3A = arith.constant 0.000000e+00 : f32
    %broadcast_in_dim3A_98 = vector.broadcast %broadcast_in_dim3A : f32 to vector<16xf32>
    %scan3A = arith.constant 0 : i32
    %scan3A_99 = arith.constant 0 : i32
    %scan3A_100 = arith.constant 64 : i32
    %scan3A_101 = arith.addi %scan3A_99, %scan3A_100 : i32
    %scan3A_102 = arith.constant 1 : i32
    scf.for %scan3A_118 = %scan3A_99 to %scan3A_101 step %scan3A_102  : i32 {
      %mul3A_119 = arith.constant 8 : i32
      %mul3A_120 = arith.muli %scan3A_118, %mul3A_119 : i32
      %add3A_121 = arith.constant 0 : i32
      %add3A_122 = arith.addi %mul3A_120, %add3A_121 : i32
      %swap3A = arith.index_cast %add3A_122 : i32 to index
      %swap3A_123 = arith.constant 0 : index
      %swap3A_124 = tpu.vector_load %arg5[%swap3A, %swap3A_123] {strides = array<i32>} : memref<512x128xf32, #tpu.memory_space<vmem>>, vector<16xf32>,
      tpu.vector_store %arg5[%swap3A, %swap3A_123], %broadcast_in_dim3A_98 {strides = array<i32>} : memref<512x128xf32, #tpu.memory_space<vmem>>, vector<16xf32>,
      %mul3A_125 = arith.constant 8 : i32
      %mul3A_126 = arith.muli %scan3A_118, %mul3A_125 : i32
      %add3A_127 = arith.constant 0 : i32
      %add3A_128 = arith.addi %mul3A_126, %add3A_127 : i32
      %swap3A_129 = arith.index_cast %add3A_128 : i32 to index
      %swap3A_130 = arith.constant 16 : index
      %swap3A_131 = tpu.vector_load %arg5[%swap3A_129, %swap3A_130] {strides = array<i32>} : memref<512x128xf32, #tpu.memory_space<vmem>>, vector<16xf32>,
      tpu.vector_store %arg5[%swap3A_129, %swap3A_130], %broadcast_in_dim3A_98 {strides = array<i32>} : memref<512x128xf32, #tpu.memory_space<vmem>>, vector<16xf32>,
      %mul3A_132 = arith.constant 8 : i32
      %mul3A_133 = arith.muli %scan3A_118, %mul3A_132 : i32
      %add3A_134 = arith.constant 0 : i32
      %add3A_135 = arith.addi %mul3A_133, %add3A_134 : i32
      %swap3A_136 = arith.index_cast %add3A_135 : i32 to index
      %swap3A_137 = arith.constant 32 : index
      %swap3A_138 = tpu.vector_load %arg5[%swap3A_136, %swap3A_137] {strides = array<i32>} : memref<512x128xf32, #tpu.memory_space<vmem>>, vector<16xf32>,
      tpu.vector_store %arg5[%swap3A_136, %swap3A_137], %broadcast_in_dim3A_98 {strides = array<i32>} : memref<512x128xf32, #tpu.memory_space<vmem>>, vector<16xf32>,
      %mul3A_139 = arith.constant 8 : i32
      %mul3A_140 = arith.muli %scan3A_118, %mul3A_139 : i32
      %add3A_141 = arith.constant 1 : i32
      %add3A_142 = arith.addi %mul3A_140, %add3A_141 : i32
      %swap3A_143 = arith.index_cast %add3A_142 : i32 to index
      %swap3A_144 = arith.constant 0 : index
      %swap3A_145 = tpu.vector_load %arg5[%swap3A_143, %swap3A_144] {strides = array<i32>} : memref<512x128xf32, #tpu.memory_space<vmem>>, vector<16xf32>,
      tpu.vector_store %arg5[%swap3A_143, %swap3A_144], %broadcast_in_dim3A_98 {strides = array<i32>} : memref<512x128xf32, #tpu.memory_space<vmem>>, vector<16xf32>,
      %mul3A_146 = arith.constant 8 : i32
      %mul3A_147 = arith.muli %scan3A_118, %mul3A_146 : i32
      %add3A_148 = arith.constant 1 : i32
      %add3A_149 = arith.addi %mul3A_147, %add3A_148 : i32
      %swap3A_150 = arith.index_cast %add3A_149 : i32 to index
      %swap3A_151 = arith.constant 16 : index
      %swap3A_152 = tpu.vector_load %arg5[%swap3A_150, %swap3A_151] {strides = array<i32>} : memref<512x128xf32, #tpu.memory_space<vmem>>, vector<16xf32>,
      tpu.vector_store %arg5[%swap3A_150, %swap3A_151], %broadcast_in_dim3A_98 {strides = array<i32>} : memref<512x128xf32, #tpu.memory_space<vmem>>, vector<16xf32>,
      %mul3A_153 = arith.constant 8 : i32
      %mul3A_154 = arith.muli %scan3A_118, %mul3A_153 : i32
      %add3A_155 = arith.constant 1 : i32
      %add3A_156 = arith.addi %mul3A_154, %add3A_155 : i32
      %swap3A_157 = arith.index_cast %add3A_156 : i32 to index
      %swap3A_158 = arith.constant 32 : index
      %swap3A_159 = tpu.vector_load %arg5[%swap3A_157, %swap3A_158] {strides = array<i32>} : memref<512x128xf32, #tpu.memory_space<vmem>>, vector<16xf32>,
      tpu.vector_store %arg5[%swap3A_157, %swap3A_158], %broadcast_in_dim3A_98 {strides = array<i32>} : memref<512x128xf32, #tpu.memory_space<vmem>>, vector<16xf32>,
      %mul3A_160 = arith.constant 8 : i32
      %mul3A_161 = arith.muli %scan3A_118, %mul3A_160 : i32
      %add3A_162 = arith.constant 2 : i32
      %add3A_163 = arith.addi %mul3A_161, %add3A_162 : i32
      %swap3A_164 = arith.index_cast %add3A_163 : i32 to index
      %swap3A_165 = arith.constant 0 : index
      %swap3A_166 = tpu.vector_load %arg5[%swap3A_164, %swap3A_165] {strides = array<i32>} : memref<512x128xf32, #tpu.memory_space<vmem>>, vector<16xf32>,
      tpu.vector_store %arg5[%swap3A_164, %swap3A_165], %broadcast_in_dim3A_98 {strides = array<i32>} : memref<512x128xf32, #tpu.memory_space<vmem>>, vector<16xf32>,
      %mul3A_167 = arith.constant 8 : i32
      %mul3A_168 = arith.muli %scan3A_118, %mul3A_167 : i32
      %add3A_169 = arith.constant 2 : i32
      %add3A_170 = arith.addi %mul3A_168, %add3A_169 : i32
      %swap3A_171 = arith.index_cast %add3A_170 : i32 to index
      %swap3A_172 = arith.constant 16 : index
      %swap3A_173 = tpu.vector_load %arg5[%swap3A_171, %swap3A_172] {strides = array<i32>} : memref<512x128xf32, #tpu.memory_space<vmem>>, vector<16xf32>,
      tpu.vector_store %arg5[%swap3A_171, %swap3A_172], %broadcast_in_dim3A_98 {strides = array<i32>} : memref<512x128xf32, #tpu.memory_space<vmem>>, vector<16xf32>,
      %mul3A_174 = arith.constant 8 : i32
      %mul3A_175 = arith.muli %scan3A_118, %mul3A_174 : i32
      %add3A_176 = arith.constant 2 : i32
      %add3A_177 = arith.addi %mul3A_175, %add3A_176 : i32
      %swap3A_178 = arith.index_cast %add3A_177 : i32 to index
      %swap3A_179 = arith.constant 32 : index
      %swap3A_180 = tpu.vector_load %arg5[%swap3A_178, %swap3A_179] {strides = array<i32>} : memref<512x128xf32, #tpu.memory_space<vmem>>, vector<16xf32>,
      tpu.vector_store %arg5[%swap3A_178, %swap3A_179], %broadcast_in_dim3A_98 {strides = array<i32>} : memref<512x128xf32, #tpu.memory_space<vmem>>, vector<16xf32>,
      %mul3A_181 = arith.constant 8 : i32
      %mul3A_182 = arith.muli %scan3A_118, %mul3A_181 : i32
      %add3A_183 = arith.constant 3 : i32
      %add3A_184 = arith.addi %mul3A_182, %add3A_183 : i32
      %swap3A_185 = arith.index_cast %add3A_184 : i32 to index
      %swap3A_186 = arith.constant 0 : index
      %swap3A_187 = tpu.vector_load %arg5[%swap3A_185, %swap3A_186] {strides = array<i32>} : memref<512x128xf32, #tpu.memory_space<vmem>>, vector<16xf32>,
      tpu.vector_store %arg5[%swap3A_185, %swap3A_186], %broadcast_in_dim3A_98 {strides = array<i32>} : memref<512x128xf32, #tpu.memory_space<vmem>>, vector<16xf32>,
      %mul3A_188 = arith.constant 8 : i32
      %mul3A_189 = arith.muli %scan3A_118, %mul3A_188 : i32
      %add3A_190 = arith.constant 3 : i32
      %add3A_191 = arith.addi %mul3A_189, %add3A_190 : i32
      %swap3A_192 = arith.index_cast %add3A_191 : i32 to index
      %swap3A_193 = arith.constant 16 : index
      %swap3A_194 = tpu.vector_load %arg5[%swap3A_192, %swap3A_193] {strides = array<i32>} : memref<512x128xf32, #tpu.memory_space<vmem>>, vector<16xf32>,
      tpu.vector_store %arg5[%swap3A_192, %swap3A_193], %broadcast_in_dim3A_98 {strides = array<i32>} : memref<512x128xf32, #tpu.memory_space<vmem>>, vector<16xf32>,
      %mul3A_195 = arith.constant 8 : i32
      %mul3A_196 = arith.muli %scan3A_118, %mul3A_195 : i32
      %add3A_197 = arith.constant 3 : i32
      %add3A_198 = arith.addi %mul3A_196, %add3A_197 : i32
      %swap3A_199 = arith.index_cast %add3A_198 : i32 to index
      %swap3A_200 = arith.constant 32 : index
      %swap3A_201 = tpu.vector_load %arg5[%swap3A_199, %swap3A_200] {strides = array<i32>} : memref<512x128xf32, #tpu.memory_space<vmem>>, vector<16xf32>,
      tpu.vector_store %arg5[%swap3A_199, %swap3A_200], %broadcast_in_dim3A_98 {strides = array<i32>} : memref<512x128xf32, #tpu.memory_space<vmem>>, vector<16xf32>,
      %mul3A_202 = arith.constant 8 : i32
      %mul3A_203 = arith.muli %scan3A_118, %mul3A_202 : i32
      %add3A_204 = arith.constant 4 : i32
      %add3A_205 = arith.addi %mul3A_203, %add3A_204 : i32
      %swap3A_206 = arith.index_cast %add3A_205 : i32 to index
      %swap3A_207 = arith.constant 0 : index
      %swap3A_208 = tpu.vector_load %arg5[%swap3A_206, %swap3A_207] {strides = array<i32>} : memref<512x128xf32, #tpu.memory_space<vmem>>, vector<16xf32>,
      tpu.vector_store %arg5[%swap3A_206, %swap3A_207], %broadcast_in_dim3A_98 {strides = array<i32>} : memref<512x128xf32, #tpu.memory_space<vmem>>, vector<16xf32>,
      %mul3A_209 = arith.constant 8 : i32
      %mul3A_210 = arith.muli %scan3A_118, %mul3A_209 : i32
      %add3A_211 = arith.constant 4 : i32
      %add3A_212 = arith.addi %mul3A_210, %add3A_211 : i32
      %swap3A_213 = arith.index_cast %add3A_212 : i32 to index
      %swap3A_214 = arith.constant 16 : index
      %swap3A_215 = tpu.vector_load %arg5[%swap3A_213, %swap3A_214] {strides = array<i32>} : memref<512x128xf32, #tpu.memory_space<vmem>>, vector<16xf32>,
      tpu.vector_store %arg5[%swap3A_213, %swap3A_214], %broadcast_in_dim3A_98 {strides = array<i32>} : memref<512x128xf32, #tpu.memory_space<vmem>>, vector<16xf32>,
      %mul3A_216 = arith.constant 8 : i32
      %mul3A_217 = arith.muli %scan3A_118, %mul3A_216 : i32
      %add3A_218 = arith.constant 4 : i32
      %add3A_219 = arith.addi %mul3A_217, %add3A_218 : i32
      %swap3A_220 = arith.index_cast %add3A_219 : i32 to index
      %swap3A_221 = arith.constant 32 : index
      %swap3A_222 = tpu.vector_load %arg5[%swap3A_220, %swap3A_221] {strides = array<i32>} : memref<512x128xf32, #tpu.memory_space<vmem>>, vector<16xf32>,
      tpu.vector_store %arg5[%swap3A_220, %swap3A_221], %broadcast_in_dim3A_98 {strides = array<i32>} : memref<512x128xf32, #tpu.memory_space<vmem>>, vector<16xf32>,
      %mul3A_223 = arith.constant 8 : i32
      %mul3A_224 = arith.muli %scan3A_118, %mul3A_223 : i32
      %add3A_225 = arith.constant 5 : i32
      %add3A_226 = arith.addi %mul3A_224, %add3A_225 : i32
      %swap3A_227 = arith.index_cast %add3A_226 : i32 to index
      %swap3A_228 = arith.constant 0 : index
      %swap3A_229 = tpu.vector_load %arg5[%swap3A_227, %swap3A_228] {strides = array<i32>} : memref<512x128xf32, #tpu.memory_space<vmem>>, vector<16xf32>,
      tpu.vector_store %arg5[%swap3A_227, %swap3A_228], %broadcast_in_dim3A_98 {strides = array<i32>} : memref<512x128xf32, #tpu.memory_space<vmem>>, vector<16xf32>,
      %mul3A_230 = arith.constant 8 : i32
      %mul3A_231 = arith.muli %scan3A_118, %mul3A_230 : i32
      %add3A_232 = arith.constant 5 : i32
      %add3A_233 = arith.addi %mul3A_231, %add3A_232 : i32
      %swap3A_234 = arith.index_cast %add3A_233 : i32 to index
      %swap3A_235 = arith.constant 16 : index
      %swap3A_236 = tpu.vector_load %arg5[%swap3A_234, %swap3A_235] {strides = array<i32>} : memref<512x128xf32, #tpu.memory_space<vmem>>, vector<16xf32>,
      tpu.vector_store %arg5[%swap3A_234, %swap3A_235], %broadcast_in_dim3A_98 {strides = array<i32>} : memref<512x128xf32, #tpu.memory_space<vmem>>, vector<16xf32>,
      %mul3A_237 = arith.constant 8 : i32
      %mul3A_238 = arith.muli %scan3A_118, %mul3A_237 : i32
      %add3A_239 = arith.constant 5 : i32
      %add3A_240 = arith.addi %mul3A_238, %add3A_239 : i32
      %swap3A_241 = arith.index_cast %add3A_240 : i32 to index
      %swap3A_242 = arith.constant 32 : index
      %swap3A_243 = tpu.vector_load %arg5[%swap3A_241, %swap3A_242] {strides = array<i32>} : memref<512x128xf32, #tpu.memory_space<vmem>>, vector<16xf32>,
      tpu.vector_store %arg5[%swap3A_241, %swap3A_242], %broadcast_in_dim3A_98 {strides = array<i32>} : memref<512x128xf32, #tpu.memory_space<vmem>>, vector<16xf32>,
      %mul3A_244 = arith.constant 8 : i32
      %mul3A_245 = arith.muli %scan3A_118, %mul3A_244 : i32
      %add3A_246 = arith.constant 6 : i32
      %add3A_247 = arith.addi %mul3A_245, %add3A_246 : i32
      %swap3A_248 = arith.index_cast %add3A_247 : i32 to index
      %swap3A_249 = arith.constant 0 : index
      %swap3A_250 = tpu.vector_load %arg5[%swap3A_248, %swap3A_249] {strides = array<i32>} : memref<512x128xf32, #tpu.memory_space<vmem>>, vector<16xf32>,
      tpu.vector_store %arg5[%swap3A_248, %swap3A_249], %broadcast_in_dim3A_98 {strides = array<i32>} : memref<512x128xf32, #tpu.memory_space<vmem>>, vector<16xf32>,
      %mul3A_251 = arith.constant 8 : i32
      %mul3A_252 = arith.muli %scan3A_118, %mul3A_251 : i32
      %add3A_253 = arith.constant 6 : i32
      %add3A_254 = arith.addi %mul3A_252, %add3A_253 : i32
      %swap3A_255 = arith.index_cast %add3A_254 : i32 to index
      %swap3A_256 = arith.constant 16 : index
      %swap3A_257 = tpu.vector_load %arg5[%swap3A_255, %swap3A_256] {strides = array<i32>} : memref<512x128xf32, #tpu.memory_space<vmem>>, vector<16xf32>,
      tpu.vector_store %arg5[%swap3A_255, %swap3A_256], %broadcast_in_dim3A_98 {strides = array<i32>} : memref<512x128xf32, #tpu.memory_space<vmem>>, vector<16xf32>,
      %mul3A_258 = arith.constant 8 : i32
      %mul3A_259 = arith.muli %scan3A_118, %mul3A_258 : i32
      %add3A_260 = arith.constant 6 : i32
      %add3A_261 = arith.addi %mul3A_259, %add3A_260 : i32
      %swap3A_262 = arith.index_cast %add3A_261 : i32 to index
      %swap3A_263 = arith.constant 32 : index
      %swap3A_264 = tpu.vector_load %arg5[%swap3A_262, %swap3A_263] {strides = array<i32>} : memref<512x128xf32, #tpu.memory_space<vmem>>, vector<16xf32>,
      tpu.vector_store %arg5[%swap3A_262, %swap3A_263], %broadcast_in_dim3A_98 {strides = array<i32>} : memref<512x128xf32, #tpu.memory_space<vmem>>, vector<16xf32>,
      %mul3A_265 = arith.constant 8 : i32
      %mul3A_266 = arith.muli %scan3A_118, %mul3A_265 : i32
      %add3A_267 = arith.constant 7 : i32
      %add3A_268 = arith.addi %mul3A_266, %add3A_267 : i32
      %swap3A_269 = arith.index_cast %add3A_268 : i32 to index
      %swap3A_270 = arith.constant 0 : index
      %swap3A_271 = tpu.vector_load %arg5[%swap3A_269, %swap3A_270] {strides = array<i32>} : memref<512x128xf32, #tpu.memory_space<vmem>>, vector<16xf32>,
      tpu.vector_store %arg5[%swap3A_269, %swap3A_270], %broadcast_in_dim3A_98 {strides = array<i32>} : memref<512x128xf32, #tpu.memory_space<vmem>>, vector<16xf32>,
      %mul3A_272 = arith.constant 8 : i32
      %mul3A_273 = arith.muli %scan3A_118, %mul3A_272 : i32
      %add3A_274 = arith.constant 7 : i32
      %add3A_275 = arith.addi %mul3A_273, %add3A_274 : i32
      %swap3A_276 = arith.index_cast %add3A_275 : i32 to index
      %swap3A_277 = arith.constant 16 : index
      %swap3A_278 = tpu.vector_load %arg5[%swap3A_276, %swap3A_277] {strides = array<i32>} : memref<512x128xf32, #tpu.memory_space<vmem>>, vector<16xf32>,
      tpu.vector_store %arg5[%swap3A_276, %swap3A_277], %broadcast_in_dim3A_98 {strides = array<i32>} : memref<512x128xf32, #tpu.memory_space<vmem>>, vector<16xf32>,
      %mul3A_279 = arith.constant 8 : i32
      %mul3A_280 = arith.muli %scan3A_118, %mul3A_279 : i32
      %add3A_281 = arith.constant 7 : i32
      %add3A_282 = arith.addi %mul3A_280, %add3A_281 : i32
      %swap3A_283 = arith.index_cast %add3A_282 : i32 to index
      %swap3A_284 = arith.constant 32 : index
      %swap3A_285 = tpu.vector_load %arg5[%swap3A_283, %swap3A_284] {strides = array<i32>} : memref<512x128xf32, #tpu.memory_space<vmem>>, vector<16xf32>,
      tpu.vector_store %arg5[%swap3A_283, %swap3A_284], %broadcast_in_dim3A_98 {strides = array<i32>} : memref<512x128xf32, #tpu.memory_space<vmem>>, vector<16xf32>,
    }
    %scan3A_103 = arith.constant 64 : i32
    %iota3A = tpu.iota {dimensions = array<i32: 0>} : vector<16xi32>
    %broadcast_in_dim3A_104 = arith.constant 1.000000e+00 : f32
    %broadcast_in_dim3A_105 = vector.broadcast %broadcast_in_dim3A_104 : f32 to vector<16xf32>
    %scan3A_106 = arith.constant 0 : i32
    %scan3A_107 = arith.constant 0 : i32
    %scan3A_108 = arith.constant 8 : i32
    %scan3A_109 = arith.addi %scan3A_107, %scan3A_108 : i32
    %scan3A_110 = arith.constant 1 : i32
    scf.for %scan3A_118 = %scan3A_107 to %scan3A_109 step %scan3A_110  : i32 {
      %mul3A_119 = arith.constant 64 : i32
      %mul3A_120 = arith.muli %scan3A_118, %mul3A_119 : i32
      %add3A_121 = arith.addi %mul3A_2, %mul3A_120 : i32
      %dma_wait3A = arith.constant 0 : i32
      %dma_wait3A_122 = tpu.memref_slice %arg4[%mul3A_120, %dma_wait3A] : memref<512x48xi32, #tpu.memory_space<vmem>> -> memref<64x48xi32, #tpu.memory_space<vmem>>
      %dma_wait3A_123 = arith.constant 0 : i32
      %dma_wait3A_124 = tpu.memref_slice %arg2[%add3A_121, %dma_wait3A_123] : memref<16384x48xi32, #tpu.memory_space<hbm>> -> memref<64x48xi32, #tpu.memory_space<hbm>>
      %dma_wait3A_125 = arith.constant 0 : i32
      %dma_wait3A_126 = tpu.memref_slice %arg4[%mul3A_120, %dma_wait3A_125] : memref<512x48xi32, #tpu.memory_space<vmem>> -> memref<64x48xi32, #tpu.memory_space<vmem>>
      %dma_wait3A_127 = arith.constant 0 : i32
      %dma_wait3A_128 = tpu.memref_slice %arg2[%add3A_121, %dma_wait3A_127] : memref<16384x48xi32, #tpu.memory_space<hbm>> -> memref<64x48xi32, #tpu.memory_space<hbm>>
      tpu.wait_dma2 semaphore(%arg6 : memref<!tpu.dma_semaphore, #tpu.memory_space<semaphore_mem>>) src(%dma_wait3A_128 : memref<64x48xi32, #tpu.memory_space<hbm>>) dst(%dma_wait3A_126 : memref<64x48xi32, #tpu.memory_space<vmem>>)
      %scan3A_129 = arith.constant 0 : i32
      %scan3A_130 = arith.constant 0 : i32
      %mul3A_131 = arith.constant 4 : i32
      %mul3A_132 = arith.muli %scan3A_118, %mul3A_131 : i32
      %mul3A_133 = arith.constant 4 : i32
      %mul3A_134 = arith.muli %scan3A_130, %mul3A_133 : i32
      %add3A_135 = arith.addi %mul3A_132, %mul3A_134 : i32
      %add3A_136 = arith.constant 0 : i32
      %add3A_137 = arith.addi %add3A_135, %add3A_136 : i32
      %mul3A_138 = arith.constant 16 : i32
      %mul3A_139 = arith.muli %add3A_137, %mul3A_138 : i32
      %add3A_140 = vector.broadcast %mul3A_139 : i32 to vector<16xi32>
      %add3A_141 = arith.addi %iota3A, %add3A_140 : vector<16xi32>
      %add3A_142 = arith.constant 1 : i32
      %add3A_143 = arith.addi %add3A_135, %add3A_142 : i32
      %mul3A_144 = arith.constant 16 : i32
      %mul3A_145 = arith.muli %add3A_143, %mul3A_144 : i32
      %add3A_146 = vector.broadcast %mul3A_145 : i32 to vector<16xi32>
      %add3A_147 = arith.addi %iota3A, %add3A_146 : vector<16xi32>
      %add3A_148 = arith.constant 2 : i32
      %add3A_149 = arith.addi %add3A_135, %add3A_148 : i32
      %mul3A_150 = arith.constant 16 : i32
      %mul3A_151 = arith.muli %add3A_149, %mul3A_150 : i32
      %add3A_152 = vector.broadcast %mul3A_151 : i32 to vector<16xi32>
      %add3A_153 = arith.addi %iota3A, %add3A_152 : vector<16xi32>
      %add3A_154 = arith.constant 3 : i32
      %add3A_155 = arith.addi %add3A_135, %add3A_154 : i32
      %mul3A_156 = arith.constant 16 : i32
      %mul3A_157 = arith.muli %add3A_155, %mul3A_156 : i32
      %add3A_158 = vector.broadcast %mul3A_157 : i32 to vector<16xi32>
      %add3A_159 = arith.addi %iota3A, %add3A_158 : vector<16xi32>
      %scan3A_160 = arith.constant 0 : i32
      %scan3A_161 = arith.constant 48 : i32
      %scan3A_162 = arith.addi %scan3A_160, %scan3A_161 : i32
      %scan3A_163 = arith.constant 1 : i32
      %scan3A_164 = scf.for %scan3A_176 = %scan3A_160 to %scan3A_162 step %scan3A_163 iter_args(%scan3A_177 = %iota3A) -> (vector<16xi32>)  : i32 {
        %gather3A = tpu.vector_load_idx %arg4[%add3A_141, %scan3A_177] : memref<512x48xi32, #tpu.memory_space<vmem>>[vector<16xi32>, vector<16xi32>], vector<16xi32>,
        %gather3A_178 = tpu.vector_load_idx %arg4[%add3A_147, %scan3A_177] : memref<512x48xi32, #tpu.memory_space<vmem>>[vector<16xi32>, vector<16xi32>], vector<16xi32>,
        %gather3A_179 = tpu.vector_load_idx %arg4[%add3A_153, %scan3A_177] : memref<512x48xi32, #tpu.memory_space<vmem>>[vector<16xi32>, vector<16xi32>], vector<16xi32>,
        %gather3A_180 = tpu.vector_load_idx %arg4[%add3A_159, %scan3A_177] : memref<512x48xi32, #tpu.memory_space<vmem>>[vector<16xi32>, vector<16xi32>], vector<16xi32>,
        tpu.vector_store_idx %arg5[%add3A_141, %gather3A], %broadcast_in_dim3A_105 {add = true} : memref<512x128xf32, #tpu.memory_space<vmem>>[vector<16xi32>, vector<16xi32>], vector<16xf32>,
        tpu.vector_store_idx %arg5[%add3A_147, %gather3A_178], %broadcast_in_dim3A_105 {add = true} : memref<512x128xf32, #tpu.memory_space<vmem>>[vector<16xi32>, vector<16xi32>], vector<16xf32>,
        tpu.vector_store_idx %arg5[%add3A_153, %gather3A_179], %broadcast_in_dim3A_105 {add = true} : memref<512x128xf32, #tpu.memory_space<vmem>>[vector<16xi32>, vector<16xi32>], vector<16xf32>,
        tpu.vector_store_idx %arg5[%add3A_159, %gather3A_180], %broadcast_in_dim3A_105 {add = true} : memref<512x128xf32, #tpu.memory_space<vmem>>[vector<16xi32>, vector<16xi32>], vector<16xf32>,
        %add3A_181 = arith.constant 1 : i32
        %add3A_182 = vector.broadcast %add3A_181 : i32 to vector<16xi32>
        %add3A_183 = arith.addi %scan3A_177, %add3A_182 : vector<16xi32>
        %ge3A = arith.constant 48 : i32
        %ge3A_184 = vector.broadcast %ge3A : i32 to vector<16xi32>
        %ge3A_185 = arith.cmpi sge, %add3A_183, %ge3A_184 : vector<16xi32>
        %sub3A = arith.constant 48 : i32
        %sub3A_186 = vector.broadcast %sub3A : i32 to vector<16xi32>
        %sub3A_187 = arith.subi %add3A_183, %sub3A_186 : vector<16xi32>
        %select_n3A = arith.select %ge3A_185, %sub3A_187, %add3A_183 : vector<16xi1>, vector<16xi32>
        scf.yield %select_n3A : vector<16xi32>
      }
      %scan3A_165 = arith.constant 48 : i32
      %scan3A_166 = arith.constant 1 : i32
      %add3A_167 = arith.addi %mul3A_2, %mul3A_120 : i32
      %dma_start3A_168 = arith.constant 0 : i32
      %dma_start3A_169 = tpu.memref_slice %arg5[%mul3A_120, %dma_start3A_168] : memref<512x128xf32, #tpu.memory_space<vmem>> -> memref<64x128xf32, #tpu.memory_space<vmem>>
      %dma_start3A_170 = arith.constant 0 : i32
      %dma_start3A_171 = tpu.memref_slice %arg3[%add3A_167, %dma_start3A_170] : memref<16384x128xf32, #tpu.memory_space<hbm>> -> memref<64x128xf32, #tpu.memory_space<hbm>>
      %dma_start3A_172 = arith.constant 0 : i32
      %dma_start3A_173 = tpu.memref_slice %arg3[%add3A_167, %dma_start3A_172] : memref<16384x128xf32, #tpu.memory_space<hbm>> -> memref<64x128xf32, #tpu.memory_space<hbm>>
      %dma_start3A_174 = arith.constant 0 : i32
      %dma_start3A_175 = tpu.memref_slice %arg5[%mul3A_120, %dma_start3A_174] : memref<512x128xf32, #tpu.memory_space<vmem>> -> memref<64x128xf32, #tpu.memory_space<vmem>>
      tpu.enqueue_dma source(%dma_start3A_175 : memref<64x128xf32, #tpu.memory_space<vmem>>) target(%dma_start3A_173 : memref<64x128xf32, #tpu.memory_space<hbm>>) target_semaphore(%arg7 : memref<!tpu.dma_semaphore, #tpu.memory_space<semaphore_mem>>)
    }
    %scan3A_111 = arith.constant 8 : i32
    %scan3A_112 = arith.constant 0 : i32
    %scan3A_113 = arith.constant 0 : i32
    %scan3A_114 = arith.constant 8 : i32
    %scan3A_115 = arith.addi %scan3A_113, %scan3A_114 : i32
    %scan3A_116 = arith.constant 1 : i32
    scf.for %scan3A_118 = %scan3A_113 to %scan3A_115 step %scan3A_116  : i32 {
      %mul3A_119 = arith.constant 64 : i32
      %mul3A_120 = arith.muli %scan3A_118, %mul3A_119 : i32
      %add3A_121 = arith.addi %mul3A_2, %mul3A_120 : i32
      %dma_wait3A = arith.constant 0 : i32
      %dma_wait3A_122 = tpu.memref_slice %arg5[%mul3A_120, %dma_wait3A] : memref<512x128xf32, #tpu.memory_space<vmem>> -> memref<64x128xf32, #tpu.memory_space<vmem>>
      %dma_wait3A_123 = arith.constant 0 : i32
      %dma_wait3A_124 = tpu.memref_slice %arg3[%add3A_121, %dma_wait3A_123] : memref<16384x128xf32, #tpu.memory_space<hbm>> -> memref<64x128xf32, #tpu.memory_space<hbm>>
      %dma_wait3A_125 = arith.constant 0 : i32
      %dma_wait3A_126 = tpu.memref_slice %arg3[%add3A_121, %dma_wait3A_125] : memref<16384x128xf32, #tpu.memory_space<hbm>> -> memref<64x128xf32, #tpu.memory_space<hbm>>
      %dma_wait3A_127 = arith.constant 0 : i32
      %dma_wait3A_128 = tpu.memref_slice %arg5[%mul3A_120, %dma_wait3A_127] : memref<512x128xf32, #tpu.memory_space<vmem>> -> memref<64x128xf32, #tpu.memory_space<vmem>>
      tpu.wait_dma2 semaphore(%arg7 : memref<!tpu.dma_semaphore, #tpu.memory_space<semaphore_mem>>) src(%dma_wait3A_128 : memref<64x128xf32, #tpu.memory_space<vmem>>) dst(%dma_wait3A_126 : memref<64x128xf32, #tpu.memory_space<hbm>>)
    }
    %scan3A_117 = arith.constant 8 : i32
    return
  }
}

module attributes {stable_mosaic.version = 14 : i64} {
  func.func @_tc_finish_body(%arg0: memref<16384x128xf32, #tpu.memory_space<vmem>>, %arg1: memref<40x128xf32, #tpu.memory_space<vmem>>, %arg2: memref<128x128xf32, #tpu.memory_space<vmem>>, %arg3: memref<1x128xf32, #tpu.memory_space<vmem>>, %arg4: memref<16384x128xf32, #tpu.memory_space<vmem>>) attributes {dimension_semantics = [], scalar_prefetch = 0 : i64, scratch_operands = 0 : i64, tpu.core_type = #tpu.core_type<tc>} {
    %get3A = arith.constant 0 : index
    %get3A_0 = arith.constant 0 : index
    %get3A_1 = vector.load %arg0[%get3A, %get3A_0] : memref<16384x128xf32, #tpu.memory_space<vmem>>, vector<16384x128xf32>
    %get3A_2 = arith.constant 0 : index
    %get3A_3 = arith.constant 0 : index
    %get3A_4 = vector.load %arg1[%get3A_2, %get3A_3] : memref<40x128xf32, #tpu.memory_space<vmem>>, vector<40x128xf32>
    %get3A_5 = arith.constant 0 : index
    %get3A_6 = arith.constant 0 : index
    %get3A_7 = vector.load %arg2[%get3A_5, %get3A_6] : memref<128x128xf32, #tpu.memory_space<vmem>>, vector<128x128xf32>
    %dot_general3A = arith.constant dense<0.000000e+00> : vector<40x128xf32>
    %dot_general3A_8 = tpu.matmul %get3A_4, %get3A_7, %dot_general3A {dimension_numbers = #tpu.dot_dimension_numbers<[1], [1], [0], [0], [0, 0, 1, 0], [], []>, transpose_lhs_hint = false} : vector<40x128xf32>, vector<128x128xf32>, vector<40x128xf32> -> vector<40x128xf32>
    %slice3A = vector.extract_strided_slice %get3A_1 {offsets = [0, 0], sizes = [16384, 40], strides = [1, 1]} : vector<16384x128xf32> to vector<16384x40xf32>
    %dot_general3A_9 = arith.constant dense<0.000000e+00> : vector<16384x128xf32>
    %dot_general3A_10 = tpu.matmul %slice3A, %dot_general3A_8, %dot_general3A_9 {dimension_numbers = #tpu.dot_dimension_numbers<[1], [0], [0], [1], [0, 0, 1, 1], [], []>, transpose_lhs_hint = false} : vector<16384x40xf32>, vector<40x128xf32>, vector<16384x128xf32> -> vector<16384x128xf32>
    %slice3A_11 = vector.extract_strided_slice %get3A_1 {offsets = [0, 0], sizes = [16384, 1], strides = [1, 1]} : vector<16384x128xf32> to vector<16384x1xf32>
    %sub3A = arith.constant 4.800000e+01 : f32
    %sub3A_12 = vector.broadcast %sub3A : f32 to vector<16384x1xf32>
    %sub3A_13 = arith.subf %sub3A_12, %slice3A_11 : vector<16384x1xf32>
    %max3A = arith.constant 1.000000e+00 : f32
    %max3A_14 = vector.broadcast %max3A : f32 to vector<16384x1xf32>
    %max3A_15 = arith.maximumf %sub3A_13, %max3A_14 : vector<16384x1xf32>
    %div3A = vector.broadcast %max3A_15 : vector<16384x1xf32> to vector<16384x128xf32>
    %div3A_16 = arith.divf %dot_general3A_10, %div3A : vector<16384x128xf32>
    %get3A_17 = arith.constant 0 : index
    %get3A_18 = arith.constant 0 : index
    %get3A_19 = vector.load %arg3[%get3A_17, %get3A_18] : memref<1x128xf32, #tpu.memory_space<vmem>>, vector<1x128xf32>
    %add3A = vector.broadcast %get3A_19 : vector<1x128xf32> to vector<16384x128xf32>
    %add3A_20 = arith.addf %div3A_16, %add3A : vector<16384x128xf32>
    %swap3A = arith.constant 0 : index
    %swap3A_21 = arith.constant 0 : index
    %swap3A_22 = vector.load %arg4[%swap3A, %swap3A_21] : memref<16384x128xf32, #tpu.memory_space<vmem>>, vector<16384x128xf32>
    tpu.vector_store %arg4[%swap3A, %swap3A_21], %add3A_20 {strides = array<i32>} : memref<16384x128xf32, #tpu.memory_space<vmem>>, vector<16384x128xf32>,
    return
  }
}

</mosaic_0001>

<sc_bundles>
// kernel: kernel.4.cloned.1.call-start
scs
__scs_entry_jumppad:
0x0: {  	(pc) =	sbr.rel $0x88, $3  }
0x1: {  	(tag) =	ssettag $0x0;
	lr =	simm.s32 $0x1  }
0x2: {  	[smem:$0x3F9D] =	sst lr;
	_ =	strace $0xD0000000  }
0x3: {  	_ = 	snop  }
0x4: {  	_ = 	snop  }
0x5: {  	_ = 	snop  }
0x6: {  	_ = 	snop  }
0x7: {  	_ = 	snop  }
__scs_overlays_trampoline_lowered:
0x8: {  	[smem:$0x3FAC] =	sst s0  }
0x9: {  	[smem:$0x3FAD] =	sst s1  }
0xa: {  	[smem:$0x3FAE] =	sst s2  }
0xb: {  	[smem:$0x3FAF] =	sst s3  }
0xc: {  	[smem:$0x3FB0] =	sst s4  }
0xd: {  	[smem:$0x3FB1] =	sst s5  }
0xe: {  	[smem:$0x3FB2] =	sst s6  }
0xf: {  	[smem:$0x3FB3] =	sst s7  }
0x10: {  	[smem:$0x3FB4] =	sst s8  }
0x11: {  	[smem:$0x3FB5] =	sst s9;
	s0 =	simm.s32 @!p0 $0x0  }
0x12: {  	s1 =	sld [smem:$0x3F9B];
	s0 =	simm.s32 @p0 $0x1  }
0x13: {  	[smem:$0x3FB6] =	sst s0;
	s0 =	simm.s32 @!p1 $0x0  }
0x14: {  	s2 =	sld [smem:$0x3F9A];
	s0 =	simm.s32 @p1 $0x1  }
0x15: {  	[smem:$0x3FB7] =	sst s0;
	s0 =	simm.s32 @!p2 $0x0  }
0x16: {  	s3 =	sld [smem:$0x3FDB];
	s0 =	simm.s32 @p2 $0x1  }
0x17: {  	s4 =	simm.s32 $0x1BF5;
	[smem:$0x3FB9] =	sst s0  }
0x18: {  	s0 =	sld [smem:$0x3F9C];
	_ =	swait.ge [sflag:s4], $0x0  }
0x19: {  	s7 =	sld [smem:$0x3F9D]  }
0x1a: {  	s8 =	sadd.s32 $0xFFFFE003, lr  }
0x1b: {  	s9 =	sadd.s32 $0xFFFFFEF7, lr;
	s5 =	simm.s32 $0xFFFFFFFF;
	p2 =	slt.u32 s8, $0xFFFFF086  }
0x1c: {  	p1 =	slt.u32 s9, $0xF7A;
	s5 =	simm.s32 @!p2 $0x0  }
0x1d: {  	s5 =	simm.s32 @p1 $0x1;
	p0 =	seq.s32 s7, s2  }
0x1e: {  	s7 =	smul.u32 @!p0 $0xF7A, s2;
	p2 =	seq.s32 @!p0 s5, $0x0  }
0x1f: {  	s9 =	smul.u32 $0xF7A, s1;
	s8 =	simm.s32 @!p0 $0x1BF5;
	p2 =	por !p2, p0  }
0x20: {  	[sflag:s8] =	ssyncset.s32 @!p0 $0xFFFFF086;
	s6 =	sadd.s32 @!p0 s3, s7;
	s7 =	simm.s32 @!p0 $0x108  }
0x21: {  	s3 =	sadd.s32 s3, s9;
	s6 =	sadd.s32 @!p0 $0x88, s6;
	s7 =	simm.s32 @p2 $0x1082  }
0x22: {  	[simem:s7], [sflag:s8] =	dma.local @!p0 [hbm:s6], $0xF7A  }
0x23: {  	s9 =	sor.u32 $0xD0000000, s2;
	s6 =	simm.s32 $0x108;
	_ =	swait.ge @!p0 [sflag:s8], $0x0  }
0x24: {  	s3 =	sadd.s32 $0x88, s3;
	s6 =	simm.s32 @!p1 $0x1082;
	[sflag:s4] =	ssyncset.s32 $0xFFFFF086  }
0x25: {  	[simem:s6], [sflag:s4] =	dma.local [hbm:s3], $0xF7A  }
0x26: {  	[smem:$0x3F9D] =	sst s1;
	(tag) =	ssettag s2;
	_ =	strace s9  }
0x27: {  	s1 =	sld [smem:$0x3FAD]  }
0x28: {  	s2 =	sld [smem:$0x3FAE]  }
0x29: {  	s4 =	sld [smem:$0x3FB0]  }
0x2a: {  	p0 =	seq.s32 s5, $0x0;
	s5 =	sld [smem:$0x3FB1]  }
0x2b: {  	s6 =	sld [smem:$0x3FB2]  }
0x2c: {  	s7 =	sld [smem:$0x3FB3]  }
0x2d: {  	s3 =	simm.s32 $0x108;
	s8 =	sld [smem:$0x3FB4]  }
0x2e: {  	s3 =	simm.s32 @!p0 $0x1082;
	s9 =	sld [smem:$0x3FB5]  }
0x2f: {  	lr =	sadd.s32 s0, s3;
	s0 =	sld [smem:$0x3FAC]  }
0x30: {  	s3 =	sld [smem:$0x3FAF]  }
0x31: {  	[smem:$0x3FB8] =	sst s10  }
0x32: {  	s10 =	sld [smem:$0x3FB6];
	_ =	sdelay $0x3  }
0x33: {  	p0 =	seq.s32 s10, $0x1;
	s10 =	sld [smem:$0x3FB8];
	_ =	sdelay $0x3  }
0x34: {  	[smem:$0x3FB8] =	sst s10  }
0x35: {  	s10 =	sld [smem:$0x3FB7];
	_ =	sdelay $0x3  }
0x36: {  	p1 =	seq.s32 s10, $0x1;
	s10 =	sld [smem:$0x3FB8];
	_ =	sdelay $0x3  }
0x37: {  	[smem:$0x3FB8] =	sst s10  }
0x38: {  	s10 =	sld [smem:$0x3FB9]  }
0x39: {  	_ = 	snop;
	(pc) =	sbr.ind lr, $3  }
0x3a: {  	_ = 	snop  }
0x3b: {  	_ = 	snop  }
0x3c: {  	p2 =	seq.s32 s10, $0x1;
	s10 =	sld [smem:$0x3FB8]  }
0x3d: {  	_ =	shalt  }
0x3e: {  	_ =	shalt  }
0x3f: {  	_ =	shalt  }
0x40: {  	_ =	shalt  }
0x41: {  	_ =	shalt  }
0x42: {  	_ =	shalt  }
0x43: {  	_ =	shalt  }
0x44: {  	_ =	shalt  }
0x45: {  	_ =	shalt  }
0x46: {  	_ =	shalt  }
0x47: {  	_ =	shalt  }
0x48: {  	_ =	shalt  }
0x49: {  	_ =	shalt  }
0x4a: {  	_ =	shalt  }
0x4b: {  	_ =	shalt  }
0x4c: {  	_ =	shalt  }
0x4d: {  	_ =	shalt  }
0x4e: {  	_ =	shalt  }
0x4f: {  	_ =	shalt  }
0x50: {  	_ =	shalt  }
0x51: {  	_ =	shalt  }
0x52: {  	_ =	shalt  }
0x53: {  	_ =	shalt  }
0x54: {  	_ =	shalt  }
0x55: {  	_ =	shalt  }
0x56: {  	_ =	shalt  }
0x57: {  	_ =	shalt  }
0x58: {  	_ =	shalt  }
0x59: {  	_ =	shalt  }
0x5a: {  	_ =	shalt  }
0x5b: {  	_ =	shalt  }
0x5c: {  	_ =	shalt  }
0x5d: {  	_ =	shalt  }
0x5e: {  	_ =	shalt  }
0x5f: {  	_ =	shalt  }
0x60: {  	_ =	shalt  }
0x61: {  	_ =	shalt  }
0x62: {  	_ =	shalt  }
0x63: {  	_ =	shalt  }
0x64: {  	_ =	shalt  }
0x65: {  	_ =	shalt  }
0x66: {  	_ =	shalt  }
0x67: {  	_ =	shalt  }
0x68: {  	_ =	shalt  }
0x69: {  	_ =	shalt  }
0x6a: {  	_ =	shalt  }
0x6b: {  	_ =	shalt  }
0x6c: {  	_ =	shalt  }
0x6d: {  	_ =	shalt  }
0x6e: {  	_ =	shalt  }
0x6f: {  	_ =	shalt  }
0x70: {  	_ =	shalt  }
0x71: {  	_ =	shalt  }
0x72: {  	_ =	shalt  }
0x73: {  	_ =	shalt  }
0x74: {  	_ =	shalt  }
0x75: {  	_ =	shalt  }
0x76: {  	_ =	shalt  }
0x77: {  	_ =	shalt  }
0x78: {  	_ =	shalt  }
0x79: {  	_ =	shalt  }
0x7a: {  	_ =	shalt  }
0x7b: {  	_ =	shalt  }
0x7c: {  	_ =	shalt  }
0x7d: {  	_ =	shalt  }
0x7e: {  	_ =	shalt  }
0x7f: {  	_ =	shalt  }
0x80: {  	_ =	shalt  }
0x81: {  	_ =	shalt  }
0x82: {  	_ =	shalt  }
0x83: {  	_ =	shalt  }
0x84: {  	_ =	shalt  }
0x85: {  	_ =	shalt  }
0x86: {  	_ =	shalt  }
0x87: {  	_ =	shalt  }
.Lfunc_end0:
.L_simem_size_0:
called_computation_lowered:
.L_overlay_start_0:
0x88: {  	s2 =	sld [smem:$0x3FD9]  }
0x89: {  	s3 =	sld [smem:$0x3FFE];
	_ =	sdelay $0x1  }
0x8a: {  	s1 =	srdreg.scid  }
0x8b: {  	s0 =	sand.u32 $0x1, s1  }
0x8c: {  	s17 =	sshll.u32 s0, $0xA;
	s2 =	sadd.s32 s3, s2  }
0x8d: {  	s2 =	sadd.s32 s2, s17  }
0x8e: {  	[smem:$0x3FC4] =	sst s2  }
0x8f: {  	_ = 	snop  }
0x90: {  	s2 =	sld [smem:$0x3FD0];
	(tm) =	ssettm $0x1  }
0x91: {  	s18 =	sld [smem:$0x3FFB];
	_ =	sdelay $0x3  }
0x92: {  	_ =	strace s18  }
0x93: {  	s3 =	sld [smem:$0x3FFC];
	_ =	sdelay $0x3  }
0x94: {  	_ =	strace s3  }
0x95: {  	s3 =	sld [smem:$0x3FFD];
	_ =	sdelay $0x3  }
0x96: {  	_ =	strace s3  }
0x97: {  	_ =	strace $0x8FFFFFFF  }
0x98: {  	s19 =	sld [smem:$0x3FDB];
	_ =	sdelay $0x1  }
0x99: {  	s4 =	simm.s32 $_scs_section_size  }
0x9a: {  	s5 =	simm.s32 $_size__tile_overlayer_lowered;
	s6 =	simm.s32 $_tile_overlayer_lowered  }
0x9b: {  	s22 =	simm.s32 $0x1BFF;
	s21 =	sshll.u32 s6, $0x1;
	s3 =	sadd.s32 s4, s19  }
0x9c: {  	s7 =	simm.s32 $0x0;
	s20 =	sshll.u32 s5, $0x1;
	s5 =	sadd.s32 s21, s3  }
0x9d: {  	[timem:s7], [sflag:s22] =	dma.local [hbm:s5], s20  }
0x9e: {  	_ =	swait.ge [sflag:s22], s20  }
0x9f: {  	s4 =	ssub.s32 $0x0, s20;
	[sflag:s22] =	ssyncset.done $0x0  }
0xa0: {  	[sflag:s22] =	ssyncadd.s32 s4;
	_ =	sdelay $0x1  }
0xa1: {  	s23 =	simm.s32 $0x1B8B  }
0xa2: {  	_ =	swait.ge [sflag:s23], $0x1  }
0xa3: {  	[sflag:s23] =	ssyncset.done $0x0  }
0xa4: {  	s25 =	simm.s32 $0x1B8E;
	s24 =	sld [smem:$0x3FFE];
	[sflag:s23] =	ssyncadd.s32 $0xFFFFFFFF  }
0xa5: {  	s26 =	simm.s32 $execute0_lowered;
	[smem:$0x3FD2] =	sst s25  }
0xa6: {  	s5 =	sshll.u32 s26, $0x1;
	_ =	strace $0x80000046;
	[dreg:$0x1] =	wrdreg $0xFFFFFFFF  }
0xa7: {  	s28 =	simm.s32 $_size_execute0_lowered;
	s3 =	sadd.s32 s3, s5;
	[dreg:$0x0] =	wrdreg $0x0  }
0xa8: {  	s5 =	sshll.u32 s28, $0x1;
	[dreg:$0x2] =	wrdreg s3  }
0xa9: {  	[dreg:$0x3] =	wrdreg s5  }
0xaa: {  	[dreg:$0x4] =	wrdreg $0xC0  }
0xab: {  	_ =	task [dreg:s7], $0x5FFFF  }
0xac: {  	[dreg:$0x1] =	wrdreg $0xFFFFFFFF  }
0xad: {  	[dreg:$0x0] =	wrdreg $0x60  }
0xae: {  	[dreg:$0x2] =	wrdreg s2  }
0xaf: {  	[dreg:$0x3] =	wrdreg s24  }
0xb0: {  	[dreg:$0x4] =	wrdreg $0x9  }
0xb1: {  	_ =	task.clear_ibuf [dreg:s7], $0x5FFFF;
	_ =	strace $0x90000046  }
0xb2: {  	s29 =	simm.s32 $0x9;
	_ =	strace $0x80000048  }
0xb3: {  	_ =	swait.ge [sflag:s29], $0x1  }
0xb4: {  	[sflag:s29] =	ssyncadd.s32 $0xFFFFFFFF  }
0xb5: {  	_ =	strace $0x90000048  }
0xb6: {  	_ =	sfence  }
0xb7: {  	s30 =	sld [smem:$0x0];
	_ =	sdelay $0x2  }
0xb8: {  	s31 =	sshll.u32 s1, $0xD;
	s1 =	sshrl.u32 s1, $0x2  }
0xb9: {  	s3 =	sand.u32 $0x4000, s31;
	s1 =	sadd.s32 s1, s30  }
0xba: {  	s0 =	sor.u32 s3, s0;
	s1 =	sshll.u32 s1, $0x11  }
0xbb: {  	s0 =	sor.u32 s1, s0  }
0xbc: {  	s0 =	sadd.s32 $0x8F2B, s0  }
0xbd: {  	[sflag:s0] =	ssyncadd.remote.s32 $0x1  }
0xbe: {  	_ =	sfence.sel $0xFFFF  }
0xbf: {  	[dreg:$0x0] =	wrdreg $0xFFFFFFFF;
	(pc) =	sbr.abs _section_cstart, $3  }
0xc0: {  	[dreg:$0x1] =	wrdreg $0xFFFFFFFF  }
0xc1: {  	_ =	task.clear_ibuf [dreg:s7], $0x2FFFF;
	_ =	strace $0x9FFFFFFF  }
0xc2: {  	(tm) =	ssettm $0x7FFFFFFF  }
0xc3: {  	_ =	shalt  }
tec
execute0_lowered:
.L_overlay_start_1:
0x0: {  	(tag) =	ssettag $0x1  }
0x1: {  	s1 =	srdreg.scid;
	s4 =	rddreg [dreg:$0x0]  }
0x2: {  	s0 =	stileid.u32;
	s6 =	rddreg [dreg:$0x1]  }
0x3: {  	s2 =	simm.s32 $0x0;
	s14 =	simm.s32 $0x2000;
	s15 =	simm.s32 $0x4000  }
0x4: {  	s16 =	simm.s32 $0x6000;
	s17 =	simm.s32 $0x8000;
	s18 =	simm.s32 $0xA000  }
0x5: {  	s19 =	simm.s32 $0xC000;
	s20 =	simm.s32 $0xE000;
	s21 =	simm.s32 $0x1  }
0x6: {  	s22 =	simm.s32 $0x10000;
	s23 =	simm.s32 $0x2;
	s5 =	sand.u32 $0x1, s1  }
0x7: {  	s24 =	simm.s32 $0x0;
	s3 =	sshll.u32 s0, $0xA;
	s7 =	sshll.u32 s5, $0x9  }
0x8: {  	s1 =	rddreg [dreg:$0x2];
	s30 =	ssub.s32 $0x2, s5;
	s3 =	sor.u32 s7, s3  }
0x9: {  	[smem:$0x7FF] =	sst s2;
	s8 =	sshrl.u32 s30, $0x1;
	s31 =	sshll.u32 s3, $0x4  }
0xa: {  	_ =	strace $0x80000047;
	s13 =	ssub.s32 s30, s8;
	s4 =	sadd.s32 s4, s31  }
0xb: {  	s5 =	sadd.s32 $0xC00, s6;
	s13 =	smax.u32 s13, $0x1;
	s6 =	sadd.s32 $0x400, s4  }
0xc: {  	s7 =	sadd.s32 $0x800, s4;
	s8 =	sadd.s32 $0xC00, s4;
	s9 =	sadd.s32 $0x1000, s4  }
0xd: {  	v0 =	vimm.f32 $0.0e+00;
	v1 =	vimm.f32 $1.000000000e+00;
	s10 =	sadd.s32 $0x1400, s4;
	s11 =	sadd.s32 $0x1800, s4;
	s12 =	sadd.s32 $0x1C00, s4  }
.LBB2_1:
0xe: {  	[tilespmem:s2], [sflag:$0x1] =	stream.linear.gather [hbm4b:s4+s2], $0x2000, $0x38;
	v63 =	vld [tilespmem:$0x0]  }
0xf: {  	_ = 	snop  }
0x10: {  	[tilespmem:s14], [sflag:$0x1] =	stream.linear.gather [hbm4b:s6+s2], $0x2000, $0x38;
	v63 =	vld [tilespmem:$0x0]  }
0x11: {  	_ = 	snop  }
0x12: {  	[tilespmem:s15], [sflag:$0x1] =	stream.linear.gather [hbm4b:s7+s2], $0x2000, $0x38;
	v63 =	vld [tilespmem:$0x0]  }
0x13: {  	_ = 	snop  }
0x14: {  	[tilespmem:s16], [sflag:$0x1] =	stream.linear.gather [hbm4b:s8+s2], $0x2000, $0x38;
	v63 =	vld [tilespmem:$0x0]  }
0x15: {  	_ = 	snop  }
0x16: {  	[tilespmem:s17], [sflag:$0x1] =	stream.linear.gather [hbm4b:s9+s2], $0x2000, $0x38;
	v63 =	vld [tilespmem:$0x0]  }
0x17: {  	_ = 	snop  }
0x18: {  	[tilespmem:s18], [sflag:$0x1] =	stream.linear.gather [hbm4b:s10+s2], $0x2000, $0x38;
	v63 =	vld [tilespmem:$0x0]  }
0x19: {  	_ = 	snop  }
0x1a: {  	[tilespmem:s19], [sflag:$0x1] =	stream.linear.gather [hbm4b:s11+s2], $0x2000, $0x38;
	v63 =	vld [tilespmem:$0x0]  }
0x1b: {  	s25 =	simm.s32 $0x0;
	s26 =	simm.s32 $0x1000  }
0x1c: {  	[tilespmem:s20], [sflag:$0x1] =	stream.linear.gather [hbm4b:s12+s2], $0x2000, $0x38;
	v63 =	vld [tilespmem:$0x0]  }
.LBB2_2:
0x1d: {  	p0 =	sne.s32 s26, $0x3F000;
	[tilespmem:s25+$0x103A0] =	vst v0  }
0x1e: {  	[tilespmem:s25+$0x10000] =	vst v0  }
0x1f: {  	[tilespmem:s25+$0x10010] =	vst v0  }
0x20: {  	[tilespmem:s25+$0x10020] =	vst v0  }
0x21: {  	[tilespmem:s25+$0x10080] =	vst v0  }
0x22: {  	[tilespmem:s25+$0x10090] =	vst v0  }
0x23: {  	[tilespmem:s25+$0x100A0] =	vst v0  }
0x24: {  	[tilespmem:s25+$0x10100] =	vst v0  }
0x25: {  	[tilespmem:s25+$0x10110] =	vst v0  }
0x26: {  	[tilespmem:s25+$0x10120] =	vst v0  }
0x27: {  	[tilespmem:s25+$0x10180] =	vst v0  }
0x28: {  	[tilespmem:s25+$0x10190] =	vst v0  }
0x29: {  	[tilespmem:s25+$0x101A0] =	vst v0  }
0x2a: {  	[tilespmem:s25+$0x10200] =	vst v0  }
0x2b: {  	[tilespmem:s25+$0x10210] =	vst v0  }
0x2c: {  	[tilespmem:s25+$0x10220] =	vst v0  }
0x2d: {  	[tilespmem:s25+$0x10280] =	vst v0  }
0x2e: {  	[tilespmem:s25+$0x10290] =	vst v0  }
0x2f: {  	[tilespmem:s25+$0x102A0] =	vst v0  }
.Ltmp0:
0x30: {  	[tilespmem:s25+$0x10300] =	vst v0;
	(pc) =	sbr.rel @p0 .LBB2_2-.Ltmp0, $4  }
0x31: {  	[tilespmem:s25+$0x10310] =	vst v0  }
0x32: {  	[tilespmem:s25+$0x10320] =	vst v0  }
0x33: {  	[tilespmem:s25+$0x10380] =	vst v0  }
0x34: {  	[tilespmem:s25+$0x10390] =	vst v0;
	s25 =	sshra.s32 s26, $0x2;
	s26 =	sadd.s32 $0x1000, s26  }
0x35: {  	[tilespmem:s25+$0x103A0] =	vst v0  }
0x36: {  	[tilespmem:s25+$0x10000] =	vst v0  }
0x37: {  	[tilespmem:s25+$0x10010] =	vst v0  }
0x38: {  	[tilespmem:s25+$0x10020] =	vst v0  }
0x39: {  	[tilespmem:s25+$0x10080] =	vst v0  }
0x3a: {  	[tilespmem:s25+$0x10090] =	vst v0  }
0x3b: {  	[tilespmem:s25+$0x100A0] =	vst v0  }
0x3c: {  	[tilespmem:s25+$0x10100] =	vst v0  }
0x3d: {  	[tilespmem:s25+$0x10110] =	vst v0  }
0x3e: {  	[tilespmem:s25+$0x10120] =	vst v0  }
0x3f: {  	[tilespmem:s25+$0x10180] =	vst v0  }
0x40: {  	[tilespmem:s25+$0x10190] =	vst v0  }
0x41: {  	[tilespmem:s25+$0x101A0] =	vst v0  }
0x42: {  	[tilespmem:s25+$0x10200] =	vst v0  }
0x43: {  	[tilespmem:s25+$0x10210] =	vst v0  }
0x44: {  	[tilespmem:s25+$0x10220] =	vst v0  }
0x45: {  	[tilespmem:s25+$0x10280] =	vst v0  }
0x46: {  	[tilespmem:s25+$0x10290] =	vst v0  }
0x47: {  	[tilespmem:s25+$0x102A0] =	vst v0  }
0x48: {  	[tilespmem:s25+$0x10300] =	vst v0  }
0x49: {  	[tilespmem:s25+$0x10310] =	vst v0  }
0x4a: {  	[tilespmem:s25+$0x10320] =	vst v0  }
0x4b: {  	[tilespmem:s25+$0x10380] =	vst v0  }
0x4c: {  	[tilespmem:s25+$0x10390] =	vst v0;
	s25 =	simm.s32 $0x0  }
.LBB2_4:
0x4d: {  	s26 =	sshll.u32 s25, $0x6;
	v6 =	vlaneseq.u32  }
0x4e: {  	s28 =	sor.u32 $0x10, s26;
	v2 =	vmov s26;
	v4 =	vmul.u32 $0x80, v6  }
0x4f: {  	v7 =	vand.u32 $0xFFFFFF80, v6;
	v3 =	vmov s28;
	s28 =	sor.u32 $0x20, s26;
	v2 =	vshll.u32 v2, $0x7  }
0x50: {  	v8 =	vand.u32 $0x7F, v6;
	v5 =	vmov s28;
	v2 =	vor.u32 v4, v2  }
0x51: {  	v3 =	vshll.u32 v3, $0x7;
	s28 =	sor.u32 $0x30, s26;
	v5 =	vshll.u32 v5, $0x7;
	v9 =	vadd.s32 v2, v7  }
0x52: {  	v3 =	vor.u32 v4, v3;
	v10 =	vmov s28;
	v9 =	vor.u32 v8, v9  }
0x53: {  	v11 =	vadd.s32 v3, v7;
	v10 =	vshll.u32 v10, $0x7;
	v5 =	vor.u32 v4, v5  }
0x54: {  	_ =	swait.ge [sflag:s21], $0x2000;
	v11 =	vor.u32 v8, v11;
	v4 =	vor.u32 v4, v10;
	v10 =	vadd.s32 v5, v7  }
0x55: {  	[sflag:s21] =	ssyncset.done $0x0;
	v10 =	vor.u32 v8, v10;
	v7 =	vadd.s32 v4, v7  }
0x56: {  	[sflag:s21] =	ssyncadd.s32 $0xFFFFE000;
	v7 =	vor.u32 v8, v7  }
0x57: {  	v8 =	vld.idx.msk [tilespmem:v9+s2+$0x0], $0xffff;
	_ =	sdelay $0x1  }
0x58: {  	v9 =	vld.idx.msk [tilespmem:v11+s2+$0x0], $0xffff;
	v11 =	vadd.s32 $0x1, v6  }
0x59: {  	v6 =	vadd.s32 $0xFFFFFFD1, v6;
	v10 =	vld.idx.msk [tilespmem:v10+s2+$0x0], $0xffff;
	vm0 =	vgt.s32 v11, $0x2F  }
0x5a: {  	v7 =	vld.idx.msk [tilespmem:v7+s2+$0x0], $0xffff;
	v6 =	vsel vm0, v6, v11  }
0x5b: {  	v13 =	vand.u32 $0x7F, v6;
	v11 =	vand.u32 $0xFFFFFF80, v8  }
0x5c: {  	v16 =	vand.u32 $0xFFFFFF80, v6;
	v8 =	vand.u32 $0x7F, v8;
	v11 =	vadd.s32 v2, v11  }
0x5d: {  	v12 =	vand.u32 $0xFFFFFF80, v9;
	v9 =	vand.u32 $0x7F, v9;
	v11 =	vor.u32 v8, v11  }
0x5e: {  	v8 =	vadd.s32 v3, v12;
	v12 =	vand.u32 $0x7F, v10;
	v10 =	vand.u32 $0xFFFFFF80, v10  }
0x5f: {  	v15 =	vor.u32 v9, v8;
	v8 =	vadd.s32 v5, v10;
	v9 =	vand.u32 $0xFFFFFF80, v7  }
0x60: {  	v14 =	vand.u32 $0x7F, v7;
	v7 =	vor.u32 v12, v8;
	v8 =	vadd.s32 v4, v9  }
0x61: {  	v10 =	vadd.s32 v2, v16;
	v12 =	vadd.s32 v3, v16;
	v9 =	vor.u32 v14, v8  }
0x62: {  	v10 =	vor.u32 v13, v10;
	v8 =	vor.u32 v13, v12  }
0x63: {  	v12 =	vadd.s32 v5, v16;
	v14 =	vadd.s32 v4, v16;
	[tilespmem:v11+s22+$0x0] =	vst.idx.add.f32.msk $0xffff, v1  }
0x64: {  	s28 =	simm.s32 $0x2E;
	v11 =	vor.u32 v13, v12;
	v12 =	vor.u32 v13, v14;
	[tilespmem:v15+s22+$0x0] =	vst.idx.add.f32.msk $0xffff, v1  }
.LBB2_5:
0x65: {  	p0 =	sne.s32 s28, $0x1;
	s28 =	sadd.s32 $0xFFFFFFFF, s28;
	[tilespmem:v7+s22+$0x0] =	vst.idx.add.f32.msk $0xffff, v1  }
0x66: {  	[tilespmem:v9+s22+$0x0] =	vst.idx.add.f32.msk $0xffff, v1  }
0x67: {  	v7 =	vld.idx.msk [tilespmem:v10+s2+$0x0], $0xffff  }
0x68: {  	v8 =	vld.idx.msk [tilespmem:v8+s2+$0x0], $0xffff  }
0x69: {  	v9 =	vld.idx.msk [tilespmem:v11+s2+$0x0], $0xffff  }
0x6a: {  	v11 =	vadd.s32 $0x1, v6;
	v10 =	vld.idx.msk [tilespmem:v12+s2+$0x0], $0xffff  }
0x6b: {  	v6 =	vadd.s32 $0xFFFFFFD1, v6;
	vm0 =	vgt.s32 v11, $0x2F  }
0x6c: {  	v6 =	vsel vm0, v6, v11  }
0x6d: {  	v12 =	vand.u32 $0x7F, v6;
	v11 =	vand.u32 $0xFFFFFF80, v7  }
0x6e: {  	v7 =	vand.u32 $0x7F, v7;
	v11 =	vadd.s32 v2, v11;
	v13 =	vand.u32 $0xFFFFFF80, v8  }
0x6f: {  	v14 =	vor.u32 v7, v11;
	v7 =	vadd.s32 v3, v13;
	v11 =	vand.u32 $0x7F, v9  }
0x70: {  	v8 =	vand.u32 $0x7F, v8;
	v9 =	vand.u32 $0xFFFFFF80, v9;
	v13 =	vand.u32 $0x7F, v10  }
0x71: {  	v15 =	vor.u32 v8, v7;
	v7 =	vadd.s32 v5, v9;
	v8 =	vand.u32 $0xFFFFFF80, v10  }
.Ltmp1:
0x72: {  	v16 =	vand.u32 $0xFFFFFF80, v6;
	v7 =	vor.u32 v11, v7;
	v8 =	vadd.s32 v4, v8;
	(pc) =	sbr.rel @p0 .LBB2_5-.Ltmp1, $4  }
0x73: {  	v10 =	vadd.s32 v2, v16;
	v11 =	vadd.s32 v3, v16;
	v9 =	vor.u32 v13, v8  }
0x74: {  	v10 =	vor.u32 v12, v10;
	v8 =	vor.u32 v12, v11;
	v11 =	vadd.s32 v5, v16  }
0x75: {  	v13 =	vadd.s32 v4, v16;
	v11 =	vor.u32 v12, v11;
	[tilespmem:v14+s22+$0x0] =	vst.idx.add.f32.msk $0xffff, v1  }
0x76: {  	v12 =	vor.u32 v12, v13;
	[tilespmem:v15+s22+$0x0] =	vst.idx.add.f32.msk $0xffff, v1  }
0x77: {  	_ =	sdelay $0x3  }
0x78: {  	[tilespmem:v7+s22+$0x0] =	vst.idx.add.f32.msk $0xffff, v1  }
0x79: {  	[tilespmem:v9+s22+$0x0] =	vst.idx.add.f32.msk $0xffff, v1  }
0x7a: {  	v6 =	vld.idx.msk [tilespmem:v10+s2+$0x0], $0xffff  }
0x7b: {  	v7 =	vld.idx.msk [tilespmem:v8+s2+$0x0], $0xffff  }
0x7c: {  	v58 =	vld.idx.msk [tilespmem:v11+s2+$0x0], $0xffff;
	_ =	sdelay $0x1  }
0x7d: {  	v9 =	vld.idx.msk [tilespmem:v12+s2+$0x0], $0xffff;
	_ =	sdelay $0x1  }
0x7e: {  	v10 =	vand.u32 $0xFFFFFF80, v6;
	v6 =	vand.u32 $0x7F, v6;
	v59 =	vand.u32 $0xFFFFFF80, v7  }
0x7f: {  	v60 =	vand.u32 $0x7F, v58;
	v7 =	vand.u32 $0x7F, v7;
	v2 =	vadd.s32 v2, v10  }
0x80: {  	v8 =	vand.u32 $0xFFFFFF80, v58;
	v3 =	vadd.s32 v3, v59;
	v2 =	vor.u32 v6, v2  }
0x81: {  	v61 =	vand.u32 $0xFFFFFF80, v9;
	v5 =	vadd.s32 v5, v8;
	v3 =	vor.u32 v7, v3  }
0x82: {  	v62 =	vand.u32 $0x7F, v9;
	v4 =	vadd.s32 v4, v61;
	v5 =	vor.u32 v60, v5  }
0x83: {  	s28 =	sshll.u32 s25, $0xD;
	s25 =	sadd.s32 $0x1, s25;
	v4 =	vor.u32 v62, v4  }
0x84: {  	p0 =	sne.s32 s25, $0x8  }
.Ltmp2:
0x85: {  	[tilespmem:v2+s22+$0x0] =	vst.idx.add.f32.msk $0xffff, v1;
	(pc) =	sbr.rel @p0 .LBB2_4-.Ltmp2, $4  }
0x86: {  	s26 =	sadd.s32 s3, s26;
	[tilespmem:v3+s22+$0x0] =	vst.idx.add.f32.msk $0xffff, v1  }
0x87: {  	s28 =	sand.u32 $0x3FFFE000, s28;
	s26 =	sshll.u32 s26, $0x4;
	[tilespmem:v5+s22+$0x0] =	vst.idx.add.f32.msk $0xffff, v1  }
0x88: {  	s28 =	sadd.s32 $0x10000, s28;
	s26 =	sadd.s32 s5, s26;
	[tilespmem:v4+s22+$0x0] =	vst.idx.add.f32.msk $0xffff, v1  }
0x89: {  	[hbm4b:s26+s2] =	stream.linear.scatter [tilespmem:s28], [sflag:$0x2], $0x2000, $0x38;
	v63 =	vld [tilespmem:$0x0]  }
0x8a: {  	_ =	swait.ge [sflag:s23], $0x2000  }
0x8b: {  	[sflag:s23] =	ssyncset.done $0x0  }
0x8c: {  	[sflag:s23] =	ssyncadd.s32 $0xFFFFE000  }
0x8d: {  	_ =	swait.ge [sflag:s23], $0x2000  }
0x8e: {  	[sflag:s23] =	ssyncset.done $0x0  }
0x8f: {  	[sflag:s23] =	ssyncadd.s32 $0xFFFFE000  }
0x90: {  	_ =	swait.ge [sflag:s23], $0x2000  }
0x91: {  	[sflag:s23] =	ssyncset.done $0x0  }
0x92: {  	[sflag:s23] =	ssyncadd.s32 $0xFFFFE000  }
0x93: {  	_ =	swait.ge [sflag:s23], $0x2000  }
0x94: {  	[sflag:s23] =	ssyncset.done $0x0  }
0x95: {  	[sflag:s23] =	ssyncadd.s32 $0xFFFFE000  }
0x96: {  	_ =	swait.ge [sflag:s23], $0x2000  }
0x97: {  	[sflag:s23] =	ssyncset.done $0x0  }
0x98: {  	[sflag:s23] =	ssyncadd.s32 $0xFFFFE000  }
0x99: {  	_ =	swait.ge [sflag:s23], $0x2000  }
0x9a: {  	[sflag:s23] =	ssyncset.done $0x0  }
0x9b: {  	s24 =	sadd.s32 $0x1, s24;
	[sflag:s23] =	ssyncadd.s32 $0xFFFFE000  }
0x9c: {  	p0 =	sne.s32 s24, s13;
	_ =	swait.ge [sflag:s23], $0x2000  }
.Ltmp3:
0x9d: {  	[sflag:s23] =	ssyncset.done $0x0;
	(pc) =	sbr.rel @p0 .LBB2_1-.Ltmp3, $4  }
0x9e: {  	[sflag:s23] =	ssyncadd.s32 $0xFFFFE000  }
0x9f: {  	_ =	swait.ge [sflag:s23], $0x2000  }
0xa0: {  	[sflag:s23] =	ssyncset.done $0x0  }
0xa1: {  	[sflag:s23] =	ssyncadd.s32 $0xFFFFE000  }
0xa2: {  	_ =	sfence.sel $0x180000  }
0xa3: {  	[bflag:$0x0] =	sbarrier.arrive $0xFFFF  }
0xa4: {  	p0 =	sne.s32 s0, $0x0;
	_ =	strace $0x90000047  }
0xa5: {  	s0 =	sadd.s32 @!p0 $0x100000, s1;
	[bflag:$0x2] =	sbarrier.arrive $0xFFFF  }
0xa6: {  	[sflag:s0] =	ssyncadd.tile.s32 @!p0 $0x1;
	_ =	shalt  }
.Lfunc_end2:
_tile_overlayer_lowered:
.L_overlay_start_2:
0xa7: {  	(tag) =	ssettag $0x2  }
0xa8: {  	s0 =	rddreg [dreg:$0x0];
	s2 =	stileid.u32  }
0xa9: {  	s1 =	rddreg [dreg:$0x1];
	p0 =	sne.s32 s2, $0x0  }
0xaa: {  	s3 =	rddreg [dreg:$0x2];
	[bflag:$0x3] =	sbarrier.arrive $0xFFFF;
	s2 =	simm.s32 @!p0 $0x1C03  }
0xab: {  	[timem:s3], [sflag:s2] =	dma.local @!p0 [hbm:s0], s1  }
0xac: {  	s0 =	simm.s32 @!p0 $0x3  }
0xad: {  	_ =	swait.ge @!p0 [sflag:s0], s1  }
0xae: {  	s1 =	ssub.s32 @!p0 $0x0, s1;
	[sflag:s0] =	ssyncset.done @!p0 $0x0  }
0xaf: {  	[sflag:s0] =	ssyncadd.s32 @!p0 s1  }
0xb0: {  	[bflag:$0x3] =	sbarrier.arrive $0xFFFF  }
0xb1: {  	_ =	shalt  }

</sc_bundles>
